<compile_context>
chip_gen: v7x
topology: tpu7x:2x2x1
jax: 0.10.2.dev20260603
libtpu: 0.0.44.dev20260713+nightly
codegen_flags: <defaults>
</compile_context>

<pallas_src>
import functools

import jax
import jax.numpy as jnp
from jax import lax
from jax.experimental import pallas as pl
from jax.experimental.pallas import tpu as pltpu
from jax.experimental.pallas import tpu_sc as plsc

_MOMENTUM = 0.75
_NC, _NS, _L = 2, 16, 16
_NW = _NC * _NS

_COLS_A = 1024
_COLS_B = 1024


def _g_body(x_ref, t_ref, g_ref, c_ref):
    g = jnp.abs(x_ref[...] - t_ref[...]).mean(axis=0)
    g_ref[...] = g
    one = jnp.float32(1.0)
    zero = jnp.float32(0.0)
    c0 = jnp.sum(jnp.where(g < 0.1, one, zero))
    c1 = jnp.sum(jnp.where((g >= 0.1) & (g < 0.2), one, zero))
    lane = lax.broadcasted_iota(jnp.int32, (1, 1, 128), 2)
    c_ref[...] = jnp.where(lane == 0, c0, jnp.where(lane == 1, c1, zero))


def _loss_body(w_ref, x_ref, t_ref, o_ref):
    @pl.when(pl.program_id(0) == 0)
    def _():
        o_ref[...] = jnp.zeros_like(o_ref)

    p = x_ref[...]
    t = t_ref[...]
    bce = -(t * jnp.log(p) + (1.0 - t) * jnp.log(1.0 - p))
    o_ref[...] += jnp.sum(bce.mean(axis=0) * w_ref[...])[None, None]


def _make_sc_weights(bs, cla, nparts):
    chunk = bs // _NW
    tot = float(bs * cla)
    mesh = plsc.VectorSubcoreMesh(core_axis_name="c", subcore_axis_name="s")

    @functools.partial(
        pl.kernel,
        mesh=mesh,
        out_type=jax.ShapeDtypeStruct((bs,), jnp.float32),
        scratch_types=[
            pltpu.VMEM((chunk,), jnp.float32),
            pltpu.VMEM((chunk,), jnp.float32),
            pltpu.VMEM((nparts * 128,), jnp.float32),
        ],
    )
    def sc_weights(g_hbm, cnt_hbm, w_hbm, g_v, w_v, c_v):
        wid = lax.axis_index("s") * _NC + lax.axis_index("c")
        lane = lax.broadcasted_iota(jnp.int32, (_L,), 0)
        base = wid * chunk
        pltpu.sync_copy(cnt_hbm, c_v)
        pltpu.sync_copy(g_hbm.at[pl.ds(base, chunk)], g_v)

        total = jnp.zeros((_L,), jnp.float32)
        for i in range(nparts):
            total = total + c_v[pl.ds(i * 128, _L)]

        def allsum(v):
            for sh in (8, 4, 2, 1):
                v = v + v.at[lane ^ sh].get(mode="promise_in_bounds")
            return v

        zero = jnp.float32(0.0)
        c0 = allsum(jnp.where(lane == 0, total, zero))
        c1 = allsum(jnp.where(lane == 1, total, zero))
        w0 = jnp.float32(1.0) * tot / jnp.maximum((1.0 - _MOMENTUM) * c0, 1e-12)
        w1 = jnp.float32(0.75) * tot / jnp.maximum((1.0 - _MOMENTUM) * c1, 1e-12)
        s = c0 * w0 * w0 + c1 * w1 * w1

        def weight_body(i, _):
            gc = g_v[pl.ds(i * _L, _L)]
            sel = jnp.where(gc < 0.1, w0, jnp.where(gc < 0.2, w1, zero))
            wr = sel * sel / s
            wr = jnp.where(wr < 1e-6, zero, wr)
            w_v[pl.ds(i * _L, _L)] = wr
            return 0

        lax.fori_loop(0, chunk // _L, weight_body, 0)
        pltpu.sync_copy(w_v, w_hbm.at[pl.ds(base, chunk)])

    return sc_weights


def kernel(inputs, targets):
    bs, cla = inputs.shape
    nparts = bs // _COLS_A
    xt = inputs.T
    tt = targets.T

    g, counts = pl.pallas_call(
        _g_body,
        grid=(nparts,),
        in_specs=[
            pl.BlockSpec((cla, _COLS_A), lambda i: (0, i)),
            pl.BlockSpec((cla, _COLS_A), lambda i: (0, i)),
        ],
        out_specs=[
            pl.BlockSpec((_COLS_A,), lambda i: (i,)),
            pl.BlockSpec((1, 1, 128), lambda i: (i, 0, 0)),
        ],
        out_shape=[
            jax.ShapeDtypeStruct((bs,), jnp.float32),
            jax.ShapeDtypeStruct((nparts, 1, 128), jnp.float32),
        ],
    )(xt, tt)

    def bce_branch(ops):
        g_, cnt_, x_, t_ = ops
        w_ = _make_sc_weights(bs, cla, nparts)(g_, cnt_.reshape(-1))
        out = pl.pallas_call(
            _loss_body,
            grid=(bs // _COLS_B,),
            in_specs=[
                pl.BlockSpec((_COLS_B,), lambda i: (i,)),
                pl.BlockSpec((cla, _COLS_B), lambda i: (0, i)),
                pl.BlockSpec((cla, _COLS_B), lambda i: (0, i)),
            ],
            out_specs=pl.BlockSpec((1, 1), lambda i: (0, 0)),
            out_shape=jax.ShapeDtypeStruct((1, 1), jnp.float32),
        )(w_, x_, t_)
        return out[0, 0]

    def nan_branch(ops):
        return jnp.float32(jnp.nan)

    w_ = _make_sc_weights(bs, cla, nparts)(g, counts.reshape(-1))
    return w_[0]

# --- scband reference (transcript-rebuilt; emitter-appended) ---
"""Pipeline reference for scband-ghms-loss-46686294508030 (READ-ONLY COPY).

The authoritative reference and input builder live on the scoring server;
editing this copy changes nothing except your own understanding.
"""

import jax, jax.numpy as jnp
import numpy as np

BINS = 10
MOMENTUM = 0.75


def _smooth(bins):
    x = np.arange(0.0, 1.0, 1.0 / bins)
    s = 1.0 - 25.0 * x ** 2
    s[int(bins * 0.2):] = 0.0
    s[s < 0] = 0.0
    return jnp.asarray(s, dtype=jnp.float32)


def setup_inputs(seed: int = 0) -> dict:
    key = jax.random.key(seed)
    k1, k2 = jax.random.split(key)
    # probabilities strictly inside (0, 1) so log() stays finite
    inputs = jax.random.uniform(k1, (16384, 1000), dtype=jnp.float32, minval=1e-4, maxval=1.0 - 1e-4)
    targets = jax.random.uniform(k2, (16384, 1000), dtype=jnp.float32)
    return {"inputs": inputs, "targets": targets}


def reference(inputs, targets):
    bs, cla = inputs.shape
    edges = [float(i) / BINS for i in range(BINS + 1)]
    edges[-1] += 1e-06
    smooth = _smooth(BINS)

    # g uses detached inputs; weight construction is non-differentiable in torch
    g = jnp.abs(jax.lax.stop_gradient(inputs) - jax.lax.stop_gradient(targets)).mean(axis=1)

    weights = jnp.zeros((bs,), dtype=jnp.float32)
    tot = float(bs * cla)
    for i in range(BINS):
        inds = (g >= edges[i]) & (g < edges[i + 1])
        num_in_bin = inds.sum().astype(jnp.float32)
        # acc_sum starts at 0.0, so after one forward: acc = (1 - m) * num_in_bin
        acc = (1.0 - MOMENTUM) * num_in_bin
        w_val = smooth[i] * tot / jnp.maximum(acc, 1e-12)
        weights = jnp.where(inds & (num_in_bin > 0), w_val, weights)

    weights = weights ** 2
    weights = weights / weights.sum()
    weights = jnp.where(weights < 1e-06, 0.0, weights)

    loss = -(targets * jnp.log(inputs) + (1.0 - targets) * jnp.log(1.0 - inputs))
    loss = loss.mean(axis=1)
    loss = (loss * weights).sum()
    return loss

if __name__ == "__main__":
    import jax
    _d = setup_inputs()
    print(jax.jit(kernel)(*tuple(_d.values())))

</pallas_src>

<mosaic_0001>
#map = affine_map<(d0, d1) -> (0)>
module attributes {stable_mosaic.version = 14 : i64} {
  func.func @sc_weights(%arg0: i32, %arg1: i32, %arg2: memref<16384xf32, #tpu.memory_space<hbm>>, %arg3: memref<2048xf32, #tpu.memory_space<hbm>>, %arg4: memref<16384xf32, #tpu.memory_space<hbm>>, %arg5: memref<512xf32, #tpu.memory_space<vmem>>, %arg6: memref<512xf32, #tpu.memory_space<vmem>>, %arg7: memref<2048xf32, #tpu.memory_space<vmem>>) attributes {dimension_semantics = [#tpu.dimension_semantics<core_parallel>, #tpu.dimension_semantics<subcore_parallel>], iteration_bounds = array<i64: 2, 16>, scalar_prefetch = 0 : i64, scratch_operands = 3 : i64, tpu.core_type = #tpu.core_type<sc_vector_subcore>, window_params = [{transform_indices = #map}, {transform_indices = #map}, {transform_indices = #map}]} {
    %mul3A = arith.constant 2 : i32
    %mul3A_0 = arith.muli %arg1, %mul3A : i32
    %add3A = arith.addi %mul3A_0, %arg0 : i32
    %iota3A = tpu.iota {dimensions = array<i32: 0>} : vector<16xi32>
    %mul3A_1 = arith.constant 512 : i32
    %mul3A_2 = arith.muli %add3A, %mul3A_1 : i32
    "tpu.region"() ({
      %run_scoped3A = tpu.sem_alloc : memref<!tpu.dma_semaphore, #tpu.memory_space<semaphore_mem>>
      tpu.enqueue_dma source(%arg3 : memref<2048xf32, #tpu.memory_space<hbm>>) target(%arg7 : memref<2048xf32, #tpu.memory_space<vmem>>) target_semaphore(%run_scoped3A : memref<!tpu.dma_semaphore, #tpu.memory_space<semaphore_mem>>)
      tpu.wait_dma2 semaphore(%run_scoped3A : memref<!tpu.dma_semaphore, #tpu.memory_space<semaphore_mem>>) src(%arg3 : memref<2048xf32, #tpu.memory_space<hbm>>) dst(%arg7 : memref<2048xf32, #tpu.memory_space<vmem>>)
      tpu.yield
    }) : () -> ()
    "tpu.region"() ({
      %run_scoped3A = tpu.sem_alloc : memref<!tpu.dma_semaphore, #tpu.memory_space<semaphore_mem>>
      %dma_start3A = tpu.memref_slice %arg2[%mul3A_2] : memref<16384xf32, #tpu.memory_space<hbm>> -> memref<512xf32, #tpu.memory_space<hbm>>
      %dma_start3A_217 = tpu.memref_slice %arg2[%mul3A_2] : memref<16384xf32, #tpu.memory_space<hbm>> -> memref<512xf32, #tpu.memory_space<hbm>>
      tpu.enqueue_dma source(%dma_start3A_217 : memref<512xf32, #tpu.memory_space<hbm>>) target(%arg5 : memref<512xf32, #tpu.memory_space<vmem>>) target_semaphore(%run_scoped3A : memref<!tpu.dma_semaphore, #tpu.memory_space<semaphore_mem>>)
      %dma_wait3A = tpu.memref_slice %arg2[%mul3A_2] : memref<16384xf32, #tpu.memory_space<hbm>> -> memref<512xf32, #tpu.memory_space<hbm>>
      %dma_wait3A_218 = tpu.memref_slice %arg2[%mul3A_2] : memref<16384xf32, #tpu.memory_space<hbm>> -> memref<512xf32, #tpu.memory_space<hbm>>
      tpu.wait_dma2 semaphore(%run_scoped3A : memref<!tpu.dma_semaphore, #tpu.memory_space<semaphore_mem>>) src(%dma_wait3A_218 : memref<512xf32, #tpu.memory_space<hbm>>) dst(%arg5 : memref<512xf32, #tpu.memory_space<vmem>>)
      tpu.yield
    }) : () -> ()
    %broadcast_in_dim3A = arith.constant 0.000000e+00 : f32
    %broadcast_in_dim3A_3 = vector.broadcast %broadcast_in_dim3A : f32 to vector<16xf32>
    %get3A = arith.constant 0 : index
    %get3A_4 = tpu.vector_load %arg7[%get3A] {strides = array<i32>} : memref<2048xf32, #tpu.memory_space<vmem>>, vector<16xf32>,
    %get3A_5 = vector.shape_cast %get3A_4 : vector<16xf32> to vector<16xf32>
    %add3A_6 = arith.addf %broadcast_in_dim3A_3, %get3A_5 : vector<16xf32>
    %get3A_7 = arith.constant 128 : index
    %get3A_8 = tpu.vector_load %arg7[%get3A_7] {strides = array<i32>} : memref<2048xf32, #tpu.memory_space<vmem>>, vector<16xf32>,
    %get3A_9 = vector.shape_cast %get3A_8 : vector<16xf32> to vector<16xf32>
    %add3A_10 = arith.addf %add3A_6, %get3A_9 : vector<16xf32>
    %get3A_11 = arith.constant 256 : index
    %get3A_12 = tpu.vector_load %arg7[%get3A_11] {strides = array<i32>} : memref<2048xf32, #tpu.memory_space<vmem>>, vector<16xf32>,
    %get3A_13 = vector.shape_cast %get3A_12 : vector<16xf32> to vector<16xf32>
    %add3A_14 = arith.addf %add3A_10, %get3A_13 : vector<16xf32>
    %get3A_15 = arith.constant 384 : index
    %get3A_16 = tpu.vector_load %arg7[%get3A_15] {strides = array<i32>} : memref<2048xf32, #tpu.memory_space<vmem>>, vector<16xf32>,
    %get3A_17 = vector.shape_cast %get3A_16 : vector<16xf32> to vector<16xf32>
    %add3A_18 = arith.addf %add3A_14, %get3A_17 : vector<16xf32>
    %get3A_19 = arith.constant 512 : index
    %get3A_20 = tpu.vector_load %arg7[%get3A_19] {strides = array<i32>} : memref<2048xf32, #tpu.memory_space<vmem>>, vector<16xf32>,
    %get3A_21 = vector.shape_cast %get3A_20 : vector<16xf32> to vector<16xf32>
    %add3A_22 = arith.addf %add3A_18, %get3A_21 : vector<16xf32>
    %get3A_23 = arith.constant 640 : index
    %get3A_24 = tpu.vector_load %arg7[%get3A_23] {strides = array<i32>} : memref<2048xf32, #tpu.memory_space<vmem>>, vector<16xf32>,
    %get3A_25 = vector.shape_cast %get3A_24 : vector<16xf32> to vector<16xf32>
    %add3A_26 = arith.addf %add3A_22, %get3A_25 : vector<16xf32>
    %get3A_27 = arith.constant 768 : index
    %get3A_28 = tpu.vector_load %arg7[%get3A_27] {strides = array<i32>} : memref<2048xf32, #tpu.memory_space<vmem>>, vector<16xf32>,
    %get3A_29 = vector.shape_cast %get3A_28 : vector<16xf32> to vector<16xf32>
    %add3A_30 = arith.addf %add3A_26, %get3A_29 : vector<16xf32>
    %get3A_31 = arith.constant 896 : index
    %get3A_32 = tpu.vector_load %arg7[%get3A_31] {strides = array<i32>} : memref<2048xf32, #tpu.memory_space<vmem>>, vector<16xf32>,
    %get3A_33 = vector.shape_cast %get3A_32 : vector<16xf32> to vector<16xf32>
    %add3A_34 = arith.addf %add3A_30, %get3A_33 : vector<16xf32>
    %get3A_35 = arith.constant 1024 : index
    %get3A_36 = tpu.vector_load %arg7[%get3A_35] {strides = array<i32>} : memref<2048xf32, #tpu.memory_space<vmem>>, vector<16xf32>,
    %get3A_37 = vector.shape_cast %get3A_36 : vector<16xf32> to vector<16xf32>
    %add3A_38 = arith.addf %add3A_34, %get3A_37 : vector<16xf32>
    %get3A_39 = arith.constant 1152 : index
    %get3A_40 = tpu.vector_load %arg7[%get3A_39] {strides = array<i32>} : memref<2048xf32, #tpu.memory_space<vmem>>, vector<16xf32>,
    %get3A_41 = vector.shape_cast %get3A_40 : vector<16xf32> to vector<16xf32>
    %add3A_42 = arith.addf %add3A_38, %get3A_41 : vector<16xf32>
    %get3A_43 = arith.constant 1280 : index
    %get3A_44 = tpu.vector_load %arg7[%get3A_43] {strides = array<i32>} : memref<2048xf32, #tpu.memory_space<vmem>>, vector<16xf32>,
    %get3A_45 = vector.shape_cast %get3A_44 : vector<16xf32> to vector<16xf32>
    %add3A_46 = arith.addf %add3A_42, %get3A_45 : vector<16xf32>
    %get3A_47 = arith.constant 1408 : index
    %get3A_48 = tpu.vector_load %arg7[%get3A_47] {strides = array<i32>} : memref<2048xf32, #tpu.memory_space<vmem>>, vector<16xf32>,
    %get3A_49 = vector.shape_cast %get3A_48 : vector<16xf32> to vector<16xf32>
    %add3A_50 = arith.addf %add3A_46, %get3A_49 : vector<16xf32>
    %get3A_51 = arith.constant 1536 : index
    %get3A_52 = tpu.vector_load %arg7[%get3A_51] {strides = array<i32>} : memref<2048xf32, #tpu.memory_space<vmem>>, vector<16xf32>,
    %get3A_53 = vector.shape_cast %get3A_52 : vector<16xf32> to vector<16xf32>
    %add3A_54 = arith.addf %add3A_50, %get3A_53 : vector<16xf32>
    %get3A_55 = arith.constant 1664 : index
    %get3A_56 = tpu.vector_load %arg7[%get3A_55] {strides = array<i32>} : memref<2048xf32, #tpu.memory_space<vmem>>, vector<16xf32>,
    %get3A_57 = vector.shape_cast %get3A_56 : vector<16xf32> to vector<16xf32>
    %add3A_58 = arith.addf %add3A_54, %get3A_57 : vector<16xf32>
    %get3A_59 = arith.constant 1792 : index
    %get3A_60 = tpu.vector_load %arg7[%get3A_59] {strides = array<i32>} : memref<2048xf32, #tpu.memory_space<vmem>>, vector<16xf32>,
    %get3A_61 = vector.shape_cast %get3A_60 : vector<16xf32> to vector<16xf32>
    %add3A_62 = arith.addf %add3A_58, %get3A_61 : vector<16xf32>
    %get3A_63 = arith.constant 1920 : index
    %get3A_64 = tpu.vector_load %arg7[%get3A_63] {strides = array<i32>} : memref<2048xf32, #tpu.memory_space<vmem>>, vector<16xf32>,
    %get3A_65 = vector.shape_cast %get3A_64 : vector<16xf32> to vector<16xf32>
    %add3A_66 = arith.addf %add3A_62, %get3A_65 : vector<16xf32>
    %eq3A = arith.constant 0 : i32
    %eq3A_67 = vector.broadcast %eq3A : i32 to vector<16xi32>
    %eq3A_68 = arith.cmpi eq, %iota3A, %eq3A_67 : vector<16xi32>
    %jit3A = arith.constant 0.000000e+00 : f32
    %broadcast_in_dim3A_69 = vector.broadcast %jit3A : f32 to vector<16xf32>
    %select_n3A = arith.select %eq3A_68, %add3A_66, %broadcast_in_dim3A_69 : vector<16xi1>, vector<16xf32>
    %xor3A = arith.constant 8 : i32
    %xor3A_70 = vector.broadcast %xor3A : i32 to vector<16xi32>
    %xor3A_71 = arith.xori %iota3A, %xor3A_70 : vector<16xi32>
    %lt3A = arith.constant 0 : i32
    %lt3A_72 = vector.broadcast %lt3A : i32 to vector<16xi32>
    %lt3A_73 = arith.cmpi slt, %xor3A_71, %lt3A_72 : vector<16xi32>
    %add3A_74 = arith.constant 16 : i32
    %add3A_75 = vector.broadcast %add3A_74 : i32 to vector<16xi32>
    %add3A_76 = arith.addi %xor3A_71, %add3A_75 : vector<16xi32>
    %select_n3A_77 = arith.select %lt3A_73, %add3A_76, %xor3A_71 : vector<16xi1>, vector<16xi32>
    %broadcast_in_dim3A_78 = vector.shape_cast %select_n3A_77 : vector<16xi32> to vector<16x1xi32>
    %gather3A = vector.shape_cast %broadcast_in_dim3A_78 : vector<16x1xi32> to vector<16xi32>
    %gather3A_79 = tpu.dynamic_gather %select_n3A[%gather3A] in [0] : vector<16xf32>, vector<16xi32> -> vector<16xf32>
    %add3A_80 = arith.addf %select_n3A, %gather3A_79 : vector<16xf32>
    %xor3A_81 = arith.constant 4 : i32
    %xor3A_82 = vector.broadcast %xor3A_81 : i32 to vector<16xi32>
    %xor3A_83 = arith.xori %iota3A, %xor3A_82 : vector<16xi32>
    %lt3A_84 = arith.constant 0 : i32
    %lt3A_85 = vector.broadcast %lt3A_84 : i32 to vector<16xi32>
    %lt3A_86 = arith.cmpi slt, %xor3A_83, %lt3A_85 : vector<16xi32>
    %add3A_87 = arith.constant 16 : i32
    %add3A_88 = vector.broadcast %add3A_87 : i32 to vector<16xi32>
    %add3A_89 = arith.addi %xor3A_83, %add3A_88 : vector<16xi32>
    %select_n3A_90 = arith.select %lt3A_86, %add3A_89, %xor3A_83 : vector<16xi1>, vector<16xi32>
    %broadcast_in_dim3A_91 = vector.shape_cast %select_n3A_90 : vector<16xi32> to vector<16x1xi32>
    %gather3A_92 = vector.shape_cast %broadcast_in_dim3A_91 : vector<16x1xi32> to vector<16xi32>
    %gather3A_93 = tpu.dynamic_gather %add3A_80[%gather3A_92] in [0] : vector<16xf32>, vector<16xi32> -> vector<16xf32>
    %add3A_94 = arith.addf %add3A_80, %gather3A_93 : vector<16xf32>
    %xor3A_95 = arith.constant 2 : i32
    %xor3A_96 = vector.broadcast %xor3A_95 : i32 to vector<16xi32>
    %xor3A_97 = arith.xori %iota3A, %xor3A_96 : vector<16xi32>
    %lt3A_98 = arith.constant 0 : i32
    %lt3A_99 = vector.broadcast %lt3A_98 : i32 to vector<16xi32>
    %lt3A_100 = arith.cmpi slt, %xor3A_97, %lt3A_99 : vector<16xi32>
    %add3A_101 = arith.constant 16 : i32
    %add3A_102 = vector.broadcast %add3A_101 : i32 to vector<16xi32>
    %add3A_103 = arith.addi %xor3A_97, %add3A_102 : vector<16xi32>
    %select_n3A_104 = arith.select %lt3A_100, %add3A_103, %xor3A_97 : vector<16xi1>, vector<16xi32>
    %broadcast_in_dim3A_105 = vector.shape_cast %select_n3A_104 : vector<16xi32> to vector<16x1xi32>
    %gather3A_106 = vector.shape_cast %broadcast_in_dim3A_105 : vector<16x1xi32> to vector<16xi32>
    %gather3A_107 = tpu.dynamic_gather %add3A_94[%gather3A_106] in [0] : vector<16xf32>, vector<16xi32> -> vector<16xf32>
    %add3A_108 = arith.addf %add3A_94, %gather3A_107 : vector<16xf32>
    %xor3A_109 = arith.constant 1 : i32
    %xor3A_110 = vector.broadcast %xor3A_109 : i32 to vector<16xi32>
    %xor3A_111 = arith.xori %iota3A, %xor3A_110 : vector<16xi32>
    %lt3A_112 = arith.constant 0 : i32
    %lt3A_113 = vector.broadcast %lt3A_112 : i32 to vector<16xi32>
    %lt3A_114 = arith.cmpi slt, %xor3A_111, %lt3A_113 : vector<16xi32>
    %add3A_115 = arith.constant 16 : i32
    %add3A_116 = vector.broadcast %add3A_115 : i32 to vector<16xi32>
    %add3A_117 = arith.addi %xor3A_111, %add3A_116 : vector<16xi32>
    %select_n3A_118 = arith.select %lt3A_114, %add3A_117, %xor3A_111 : vector<16xi1>, vector<16xi32>
    %broadcast_in_dim3A_119 = vector.shape_cast %select_n3A_118 : vector<16xi32> to vector<16x1xi32>
    %gather3A_120 = vector.shape_cast %broadcast_in_dim3A_119 : vector<16x1xi32> to vector<16xi32>
    %gather3A_121 = tpu.dynamic_gather %add3A_108[%gather3A_120] in [0] : vector<16xf32>, vector<16xi32> -> vector<16xf32>
    %add3A_122 = arith.addf %add3A_108, %gather3A_121 : vector<16xf32>
    %eq3A_123 = arith.constant 1 : i32
    %eq3A_124 = vector.broadcast %eq3A_123 : i32 to vector<16xi32>
    %eq3A_125 = arith.cmpi eq, %iota3A, %eq3A_124 : vector<16xi32>
    %jit3A_126 = arith.constant 0.000000e+00 : f32
    %broadcast_in_dim3A_127 = vector.broadcast %jit3A_126 : f32 to vector<16xf32>
    %select_n3A_128 = arith.select %eq3A_125, %add3A_66, %broadcast_in_dim3A_127 : vector<16xi1>, vector<16xf32>
    %xor3A_129 = arith.constant 8 : i32
    %xor3A_130 = vector.broadcast %xor3A_129 : i32 to vector<16xi32>
    %xor3A_131 = arith.xori %iota3A, %xor3A_130 : vector<16xi32>
    %lt3A_132 = arith.constant 0 : i32
    %lt3A_133 = vector.broadcast %lt3A_132 : i32 to vector<16xi32>
    %lt3A_134 = arith.cmpi slt, %xor3A_131, %lt3A_133 : vector<16xi32>
    %add3A_135 = arith.constant 16 : i32
    %add3A_136 = vector.broadcast %add3A_135 : i32 to vector<16xi32>
    %add3A_137 = arith.addi %xor3A_131, %add3A_136 : vector<16xi32>
    %select_n3A_138 = arith.select %lt3A_134, %add3A_137, %xor3A_131 : vector<16xi1>, vector<16xi32>
    %broadcast_in_dim3A_139 = vector.shape_cast %select_n3A_138 : vector<16xi32> to vector<16x1xi32>
    %gather3A_140 = vector.shape_cast %broadcast_in_dim3A_139 : vector<16x1xi32> to vector<16xi32>
    %gather3A_141 = tpu.dynamic_gather %select_n3A_128[%gather3A_140] in [0] : vector<16xf32>, vector<16xi32> -> vector<16xf32>
    %add3A_142 = arith.addf %select_n3A_128, %gather3A_141 : vector<16xf32>
    %xor3A_143 = arith.constant 4 : i32
    %xor3A_144 = vector.broadcast %xor3A_143 : i32 to vector<16xi32>
    %xor3A_145 = arith.xori %iota3A, %xor3A_144 : vector<16xi32>
    %lt3A_146 = arith.constant 0 : i32
    %lt3A_147 = vector.broadcast %lt3A_146 : i32 to vector<16xi32>
    %lt3A_148 = arith.cmpi slt, %xor3A_145, %lt3A_147 : vector<16xi32>
    %add3A_149 = arith.constant 16 : i32
    %add3A_150 = vector.broadcast %add3A_149 : i32 to vector<16xi32>
    %add3A_151 = arith.addi %xor3A_145, %add3A_150 : vector<16xi32>
    %select_n3A_152 = arith.select %lt3A_148, %add3A_151, %xor3A_145 : vector<16xi1>, vector<16xi32>
    %broadcast_in_dim3A_153 = vector.shape_cast %select_n3A_152 : vector<16xi32> to vector<16x1xi32>
    %gather3A_154 = vector.shape_cast %broadcast_in_dim3A_153 : vector<16x1xi32> to vector<16xi32>
    %gather3A_155 = tpu.dynamic_gather %add3A_142[%gather3A_154] in [0] : vector<16xf32>, vector<16xi32> -> vector<16xf32>
    %add3A_156 = arith.addf %add3A_142, %gather3A_155 : vector<16xf32>
    %xor3A_157 = arith.constant 2 : i32
    %xor3A_158 = vector.broadcast %xor3A_157 : i32 to vector<16xi32>
    %xor3A_159 = arith.xori %iota3A, %xor3A_158 : vector<16xi32>
    %lt3A_160 = arith.constant 0 : i32
    %lt3A_161 = vector.broadcast %lt3A_160 : i32 to vector<16xi32>
    %lt3A_162 = arith.cmpi slt, %xor3A_159, %lt3A_161 : vector<16xi32>
    %add3A_163 = arith.constant 16 : i32
    %add3A_164 = vector.broadcast %add3A_163 : i32 to vector<16xi32>
    %add3A_165 = arith.addi %xor3A_159, %add3A_164 : vector<16xi32>
    %select_n3A_166 = arith.select %lt3A_162, %add3A_165, %xor3A_159 : vector<16xi1>, vector<16xi32>
    %broadcast_in_dim3A_167 = vector.shape_cast %select_n3A_166 : vector<16xi32> to vector<16x1xi32>
    %gather3A_168 = vector.shape_cast %broadcast_in_dim3A_167 : vector<16x1xi32> to vector<16xi32>
    %gather3A_169 = tpu.dynamic_gather %add3A_156[%gather3A_168] in [0] : vector<16xf32>, vector<16xi32> -> vector<16xf32>
    %add3A_170 = arith.addf %add3A_156, %gather3A_169 : vector<16xf32>
    %xor3A_171 = arith.constant 1 : i32
    %xor3A_172 = vector.broadcast %xor3A_171 : i32 to vector<16xi32>
    %xor3A_173 = arith.xori %iota3A, %xor3A_172 : vector<16xi32>
    %lt3A_174 = arith.constant 0 : i32
    %lt3A_175 = vector.broadcast %lt3A_174 : i32 to vector<16xi32>
    %lt3A_176 = arith.cmpi slt, %xor3A_173, %lt3A_175 : vector<16xi32>
    %add3A_177 = arith.constant 16 : i32
    %add3A_178 = vector.broadcast %add3A_177 : i32 to vector<16xi32>
    %add3A_179 = arith.addi %xor3A_173, %add3A_178 : vector<16xi32>
    %select_n3A_180 = arith.select %lt3A_176, %add3A_179, %xor3A_173 : vector<16xi1>, vector<16xi32>
    %broadcast_in_dim3A_181 = vector.shape_cast %select_n3A_180 : vector<16xi32> to vector<16x1xi32>
    %gather3A_182 = vector.shape_cast %broadcast_in_dim3A_181 : vector<16x1xi32> to vector<16xi32>
    %gather3A_183 = tpu.dynamic_gather %add3A_170[%gather3A_182] in [0] : vector<16xf32>, vector<16xi32> -> vector<16xf32>
    %add3A_184 = arith.addf %add3A_170, %gather3A_183 : vector<16xf32>
    %mul3A_185 = arith.constant 1.000000e+00 : f32
    %mul3A_186 = arith.constant 1.638400e+07 : f32
    %mul3A_187 = arith.mulf %mul3A_185, %mul3A_186 : f32
    %mul3A_188 = arith.constant 2.500000e-01 : f32
    %mul3A_189 = vector.broadcast %mul3A_188 : f32 to vector<16xf32>
    %mul3A_190 = arith.mulf %mul3A_189, %add3A_122 : vector<16xf32>
    %max3A = arith.constant 9.99999996E-13 : f32
    %max3A_191 = vector.broadcast %max3A : f32 to vector<16xf32>
    %max3A_192 = arith.maximumf %mul3A_190, %max3A_191 : vector<16xf32>
    %div3A = vector.broadcast %mul3A_187 : f32 to vector<16xf32>
    %div3A_193 = arith.divf %div3A, %max3A_192 : vector<16xf32>
    %mul3A_194 = arith.constant 7.500000e-01 : f32
    %mul3A_195 = arith.constant 1.638400e+07 : f32
    %mul3A_196 = arith.mulf %mul3A_194, %mul3A_195 : f32
    %mul3A_197 = arith.constant 2.500000e-01 : f32
    %mul3A_198 = vector.broadcast %mul3A_197 : f32 to vector<16xf32>
    %mul3A_199 = arith.mulf %mul3A_198, %add3A_184 : vector<16xf32>
    %max3A_200 = arith.constant 9.99999996E-13 : f32
    %max3A_201 = vector.broadcast %max3A_200 : f32 to vector<16xf32>
    %max3A_202 = arith.maximumf %mul3A_199, %max3A_201 : vector<16xf32>
    %div3A_203 = vector.broadcast %mul3A_196 : f32 to vector<16xf32>
    %div3A_204 = arith.divf %div3A_203, %max3A_202 : vector<16xf32>
    %mul3A_205 = arith.mulf %add3A_122, %div3A_193 : vector<16xf32>
    %mul3A_206 = arith.mulf %mul3A_205, %div3A_193 : vector<16xf32>
    %mul3A_207 = arith.mulf %add3A_184, %div3A_204 : vector<16xf32>
    %mul3A_208 = arith.mulf %mul3A_207, %div3A_204 : vector<16xf32>
    %add3A_209 = arith.addf %mul3A_206, %mul3A_208 : vector<16xf32>
    %scan3A = arith.constant 0.000000e+00 : f32
    %scan3A_210 = arith.constant 0 : i32
    %scan3A_211 = arith.constant 0 : i32
    %scan3A_212 = arith.constant 32 : i32
    %scan3A_213 = arith.addi %scan3A_211, %scan3A_212 : i32
    %scan3A_214 = arith.constant 1 : i32
    %scan3A_215 = scf.for %scan3A_217 = %scan3A_211 to %scan3A_213 step %scan3A_214 iter_args(%scan3A_218 = %scan3A_210) -> (i32)  : i32 {
      %mul3A_219 = arith.constant 16 : i32
      %mul3A_220 = arith.muli %scan3A_217, %mul3A_219 : i32
      %get3A_221 = arith.index_cast %mul3A_220 : i32 to index
      %get3A_222 = tpu.vector_load %arg5[%get3A_221] {strides = array<i32>} : memref<512xf32, #tpu.memory_space<vmem>>, vector<16xf32>,
      %get3A_223 = vector.shape_cast %get3A_222 : vector<16xf32> to vector<16xf32>
      %lt3A_224 = arith.constant 1.000000e-01 : f32
      %lt3A_225 = vector.broadcast %lt3A_224 : f32 to vector<16xf32>
      %lt3A_226 = arith.cmpf olt, %get3A_223, %lt3A_225 : vector<16xf32>
      %lt3A_227 = arith.constant 2.000000e-01 : f32
      %lt3A_228 = vector.broadcast %lt3A_227 : f32 to vector<16xf32>
      %lt3A_229 = arith.cmpf olt, %get3A_223, %lt3A_228 : vector<16xf32>
      %broadcast_in_dim3A_230 = vector.broadcast %scan3A : f32 to vector<16xf32>
      %select_n3A_231 = arith.select %lt3A_229, %div3A_204, %broadcast_in_dim3A_230 : vector<16xi1>, vector<16xf32>
      %select_n3A_232 = arith.select %lt3A_226, %div3A_193, %select_n3A_231 : vector<16xi1>, vector<16xf32>
      %mul3A_233 = arith.mulf %select_n3A_232, %select_n3A_232 : vector<16xf32>
      %div3A_234 = arith.divf %mul3A_233, %add3A_209 : vector<16xf32>
      %lt3A_235 = arith.constant 9.99999997E-7 : f32
      %lt3A_236 = vector.broadcast %lt3A_235 : f32 to vector<16xf32>
      %lt3A_237 = arith.cmpf olt, %div3A_234, %lt3A_236 : vector<16xf32>
      %broadcast_in_dim3A_238 = vector.broadcast %scan3A : f32 to vector<16xf32>
      %select_n3A_239 = arith.select %lt3A_237, %broadcast_in_dim3A_238, %div3A_234 : vector<16xi1>, vector<16xf32>
      %mul3A_240 = arith.constant 16 : i32
      %mul3A_241 = arith.muli %scan3A_217, %mul3A_240 : i32
      %swap3A = arith.index_cast %mul3A_241 : i32 to index
      %swap3A_242 = tpu.vector_load %arg6[%swap3A] {strides = array<i32>} : memref<512xf32, #tpu.memory_space<vmem>>, vector<16xf32>,
      %swap3A_243 = vector.shape_cast %swap3A_242 : vector<16xf32> to vector<16xf32>
      %swap3A_244 = vector.shape_cast %select_n3A_239 : vector<16xf32> to vector<16xf32>
      tpu.vector_store %arg6[%swap3A], %swap3A_244 {strides = array<i32>} : memref<512xf32, #tpu.memory_space<vmem>>, vector<16xf32>,
      %scan3A_245 = arith.constant 0 : i32
      scf.yield %scan3A_245 : i32
    }
    %scan3A_216 = arith.constant 32 : i32
    "tpu.region"() ({
      %run_scoped3A = tpu.sem_alloc : memref<!tpu.dma_semaphore, #tpu.memory_space<semaphore_mem>>
      %dma_start3A = tpu.memref_slice %arg4[%mul3A_2] : memref<16384xf32, #tpu.memory_space<hbm>> -> memref<512xf32, #tpu.memory_space<hbm>>
      %dma_start3A_217 = tpu.memref_slice %arg4[%mul3A_2] : memref<16384xf32, #tpu.memory_space<hbm>> -> memref<512xf32, #tpu.memory_space<hbm>>
      tpu.enqueue_dma source(%arg6 : memref<512xf32, #tpu.memory_space<vmem>>) target(%dma_start3A_217 : memref<512xf32, #tpu.memory_space<hbm>>) target_semaphore(%run_scoped3A : memref<!tpu.dma_semaphore, #tpu.memory_space<semaphore_mem>>)
      %dma_wait3A = tpu.memref_slice %arg4[%mul3A_2] : memref<16384xf32, #tpu.memory_space<hbm>> -> memref<512xf32, #tpu.memory_space<hbm>>
      %dma_wait3A_218 = tpu.memref_slice %arg4[%mul3A_2] : memref<16384xf32, #tpu.memory_space<hbm>> -> memref<512xf32, #tpu.memory_space<hbm>>
      tpu.wait_dma2 semaphore(%run_scoped3A : memref<!tpu.dma_semaphore, #tpu.memory_space<semaphore_mem>>) src(%arg6 : memref<512xf32, #tpu.memory_space<vmem>>) dst(%dma_wait3A_218 : memref<512xf32, #tpu.memory_space<hbm>>)
      tpu.yield
    }) : () -> ()
    return
  }
}

module attributes {stable_mosaic.version = 14 : i64} {
  func.func @_g_body(%arg0: i32, %arg1: memref<1000x1024xf32, #tpu.memory_space<vmem>>, %arg2: memref<1000x1024xf32, #tpu.memory_space<vmem>>, %arg3: memref<1024xf32, #tpu.memory_space<vmem>>, %arg4: memref<1x1x128xf32, #tpu.memory_space<vmem>>) attributes {dimension_semantics = [#tpu.dimension_semantics<arbitrary>], iteration_bounds = array<i64: 16>, scalar_prefetch = 0 : i64, scratch_operands = 0 : i64, tpu.core_type = #tpu.core_type<tc>, window_params = [{transform_indices = @transform_0, window_bounds = array<i64: 1000, 1024>}, {transform_indices = @transform_1, window_bounds = array<i64: 1000, 1024>}, {transform_indices = @transform_2, window_bounds = array<i64: 1024>}, {transform_indices = @transform_3, window_bounds = array<i64: 1, 1, 128>}]} {
    %get3A = arith.constant 0 : index
    %get3A_0 = arith.constant 0 : index
    %get3A_1 = vector.load %arg1[%get3A, %get3A_0] : memref<1000x1024xf32, #tpu.memory_space<vmem>>, vector<1000x1024xf32>
    %get3A_2 = arith.constant 0 : index
    %get3A_3 = arith.constant 0 : index
    %get3A_4 = vector.load %arg2[%get3A_2, %get3A_3] : memref<1000x1024xf32, #tpu.memory_space<vmem>>, vector<1000x1024xf32>
    %sub3A = arith.subf %get3A_1, %get3A_4 : vector<1000x1024xf32>
    %abs3A = math.absf %sub3A : vector<1000x1024xf32>
    %reduce_sum3A = arith.constant dense<0.000000e+00> : vector<1024xf32>
    %reduce_sum3A_5 = vector.multi_reduction <add>, %abs3A, %reduce_sum3A [0] : vector<1000x1024xf32> to vector<1024xf32>
    %div3A = arith.constant 1.000000e+03 : f32
    %div3A_6 = vector.broadcast %div3A : f32 to vector<1024xf32>
    %div3A_7 = arith.divf %reduce_sum3A_5, %div3A_6 : vector<1024xf32>
    %swap3A = arith.constant 0 : index
    %swap3A_8 = vector.load %arg3[%swap3A] : memref<1024xf32, #tpu.memory_space<vmem>>, vector<1024xf32>
    tpu.vector_store %arg3[%swap3A], %div3A_7 {strides = array<i32>} : memref<1024xf32, #tpu.memory_space<vmem>>, vector<1024xf32>,
    %lt3A = arith.constant 1.000000e-01 : f32
    %lt3A_9 = vector.broadcast %lt3A : f32 to vector<1024xf32>
    %lt3A_10 = arith.cmpf olt, %div3A_7, %lt3A_9 : vector<1024xf32>
    %jit3A = arith.constant 1.000000e+00 : f32
    %jit3A_11 = arith.constant 0.000000e+00 : f32
    %broadcast_in_dim3A = vector.broadcast %jit3A : f32 to vector<1024xf32>
    %broadcast_in_dim3A_12 = vector.broadcast %jit3A_11 : f32 to vector<1024xf32>
    %select_n3A = arith.select %lt3A_10, %broadcast_in_dim3A, %broadcast_in_dim3A_12 : vector<1024xi1>, vector<1024xf32>
    %reduce_sum3A_13 = vector.shape_cast %select_n3A : vector<1024xf32> to vector<1x1024xf32>
    %reduce_sum3A_14 = arith.constant dense<0.000000e+00> : vector<1xf32>
    %reduce_sum3A_15 = vector.multi_reduction <add>, %reduce_sum3A_13, %reduce_sum3A_14 [1] : vector<1x1024xf32> to vector<1xf32>
    %reduce_sum3A_16 = vector.shape_cast %reduce_sum3A_15 : vector<1xf32> to vector<1x1xf32>
    %reduce_sum3A_17 = vector.extract %reduce_sum3A_16[0, 0] : f32 from vector<1x1xf32>
    %ge3A = arith.constant 1.000000e-01 : f32
    %ge3A_18 = vector.broadcast %ge3A : f32 to vector<1024xf32>
    %ge3A_19 = arith.cmpf oge, %div3A_7, %ge3A_18 : vector<1024xf32>
    %lt3A_20 = arith.constant 2.000000e-01 : f32
    %lt3A_21 = vector.broadcast %lt3A_20 : f32 to vector<1024xf32>
    %lt3A_22 = arith.cmpf olt, %div3A_7, %lt3A_21 : vector<1024xf32>
    %and3A = arith.andi %ge3A_19, %lt3A_22 : vector<1024xi1>
    %jit3A_23 = arith.constant 1.000000e+00 : f32
    %jit3A_24 = arith.constant 0.000000e+00 : f32
    %broadcast_in_dim3A_25 = vector.broadcast %jit3A_23 : f32 to vector<1024xf32>
    %broadcast_in_dim3A_26 = vector.broadcast %jit3A_24 : f32 to vector<1024xf32>
    %select_n3A_27 = arith.select %and3A, %broadcast_in_dim3A_25, %broadcast_in_dim3A_26 : vector<1024xi1>, vector<1024xf32>
    %reduce_sum3A_28 = vector.shape_cast %select_n3A_27 : vector<1024xf32> to vector<1x1024xf32>
    %reduce_sum3A_29 = arith.constant dense<0.000000e+00> : vector<1xf32>
    %reduce_sum3A_30 = vector.multi_reduction <add>, %reduce_sum3A_28, %reduce_sum3A_29 [1] : vector<1x1024xf32> to vector<1xf32>
    %reduce_sum3A_31 = vector.shape_cast %reduce_sum3A_30 : vector<1xf32> to vector<1x1xf32>
    %reduce_sum3A_32 = vector.extract %reduce_sum3A_31[0, 0] : f32 from vector<1x1xf32>
    %iota3A = tpu.iota {dimensions = array<i32: 2>} : vector<1x1x128xi32>
    %eq3A = arith.constant 0 : i32
    %eq3A_33 = vector.broadcast %eq3A : i32 to vector<1x1x128xi32>
    %eq3A_34 = arith.cmpi eq, %iota3A, %eq3A_33 : vector<1x1x128xi32>
    %eq3A_35 = arith.constant 1 : i32
    %eq3A_36 = vector.broadcast %eq3A_35 : i32 to vector<1x1x128xi32>
    %eq3A_37 = arith.cmpi eq, %iota3A, %eq3A_36 : vector<1x1x128xi32>
    %jit3A_38 = arith.constant 0.000000e+00 : f32
    %broadcast_in_dim3A_39 = vector.broadcast %reduce_sum3A_32 : f32 to vector<1x1x128xf32>
    %broadcast_in_dim3A_40 = vector.broadcast %jit3A_38 : f32 to vector<1x1x128xf32>
    %select_n3A_41 = arith.select %eq3A_37, %broadcast_in_dim3A_39, %broadcast_in_dim3A_40 : vector<1x1x128xi1>, vector<1x1x128xf32>
    %broadcast_in_dim3A_42 = vector.broadcast %reduce_sum3A_17 : f32 to vector<1x1x128xf32>
    %select_n3A_43 = arith.select %eq3A_34, %broadcast_in_dim3A_42, %select_n3A_41 : vector<1x1x128xi1>, vector<1x1x128xf32>
    %swap3A_44 = arith.constant 0 : index
    %swap3A_45 = arith.constant 0 : index
    %swap3A_46 = arith.constant 0 : index
    %swap3A_47 = vector.load %arg4[%swap3A_44, %swap3A_45, %swap3A_46] : memref<1x1x128xf32, #tpu.memory_space<vmem>>, vector<1x1x128xf32>
    tpu.vector_store %arg4[%swap3A_44, %swap3A_45, %swap3A_46], %select_n3A_43 {strides = array<i32>} : memref<1x1x128xf32, #tpu.memory_space<vmem>>, vector<1x1x128xf32>,
    return
  }
  func.func @transform_0(%arg0: i32) -> (i32, i32) {
    %c0_i32 = arith.constant 0 : i32
    %c0_i32_0 = arith.constant 0 : i32
    return %c0_i32, %arg0 : i32, i32
  }
  func.func @transform_1(%arg0: i32) -> (i32, i32) {
    %c0_i32 = arith.constant 0 : i32
    %c0_i32_0 = arith.constant 0 : i32
    return %c0_i32, %arg0 : i32, i32
  }
  func.func @transform_2(%arg0: i32) -> i32 {
    %c0_i32 = arith.constant 0 : i32
    return %arg0 : i32
  }
  func.func @transform_3(%arg0: i32) -> (i32, i32, i32) {
    %c0_i32 = arith.constant 0 : i32
    %c0_i32_0 = arith.constant 0 : i32
    %c0_i32_1 = arith.constant 0 : i32
    return %arg0, %c0_i32, %c0_i32_0 : i32, i32, i32
  }
}

</mosaic_0001>

<sc_bundles>
// kernel: kernel.4.cloned.1.call-start
scs
__scs_entry_jumppad:
0x0: {  	(pc) =	sbr.rel $0x88, $3  }
0x1: {  	(tag) =	ssettag $0x0;
	lr =	simm.s32 $0x1  }
0x2: {  	[smem:$0x3F9F] =	sst lr;
	_ =	strace $0xD0000000  }
0x3: {  	_ = 	snop  }
0x4: {  	_ = 	snop  }
0x5: {  	_ = 	snop  }
0x6: {  	_ = 	snop  }
0x7: {  	_ = 	snop  }
__scs_overlays_trampoline_lowered:
0x8: {  	[smem:$0x3FAE] =	sst s0  }
0x9: {  	[smem:$0x3FAF] =	sst s1  }
0xa: {  	[smem:$0x3FB0] =	sst s2  }
0xb: {  	[smem:$0x3FB1] =	sst s3  }
0xc: {  	[smem:$0x3FB2] =	sst s4  }
0xd: {  	[smem:$0x3FB3] =	sst s5  }
0xe: {  	[smem:$0x3FB4] =	sst s6  }
0xf: {  	[smem:$0x3FB5] =	sst s7  }
0x10: {  	[smem:$0x3FB6] =	sst s8  }
0x11: {  	[smem:$0x3FB7] =	sst s9;
	s0 =	simm.s32 @!p0 $0x0  }
0x12: {  	s1 =	sld [smem:$0x3F9D];
	s0 =	simm.s32 @p0 $0x1  }
0x13: {  	[smem:$0x3FB8] =	sst s0;
	s0 =	simm.s32 @!p1 $0x0  }
0x14: {  	s2 =	sld [smem:$0x3F9C];
	s0 =	simm.s32 @p1 $0x1  }
0x15: {  	[smem:$0x3FB9] =	sst s0;
	s0 =	simm.s32 @!p2 $0x0  }
0x16: {  	s3 =	sld [smem:$0x3FDB];
	s0 =	simm.s32 @p2 $0x1  }
0x17: {  	s4 =	simm.s32 $0x1BF5;
	[smem:$0x3FBB] =	sst s0  }
0x18: {  	s0 =	sld [smem:$0x3F9E];
	_ =	swait.ge [sflag:s4], $0x0  }
0x19: {  	s7 =	sld [smem:$0x3F9F]  }
0x1a: {  	s8 =	sadd.s32 $0xFFFFE003, lr  }
0x1b: {  	s9 =	sadd.s32 $0xFFFFFEF7, lr;
	s5 =	simm.s32 $0xFFFFFFFF;
	p2 =	slt.u32 s8, $0xFFFFF086  }
0x1c: {  	p1 =	slt.u32 s9, $0xF7A;
	s5 =	simm.s32 @!p2 $0x0  }
0x1d: {  	s5 =	simm.s32 @p1 $0x1;
	p0 =	seq.s32 s7, s2  }
0x1e: {  	s7 =	smul.u32 @!p0 $0xF7A, s2;
	p2 =	seq.s32 @!p0 s5, $0x0  }
0x1f: {  	s9 =	smul.u32 $0xF7A, s1;
	s8 =	simm.s32 @!p0 $0x1BF5;
	p2 =	por !p2, p0  }
0x20: {  	[sflag:s8] =	ssyncset.s32 @!p0 $0xFFFFF086;
	s6 =	sadd.s32 @!p0 s3, s7;
	s7 =	simm.s32 @!p0 $0x108  }
0x21: {  	s3 =	sadd.s32 s3, s9;
	s6 =	sadd.s32 @!p0 $0x88, s6;
	s7 =	simm.s32 @p2 $0x1082  }
0x22: {  	[simem:s7], [sflag:s8] =	dma.local @!p0 [hbm:s6], $0xF7A  }
0x23: {  	s9 =	sor.u32 $0xD0000000, s2;
	s6 =	simm.s32 $0x108;
	_ =	swait.ge @!p0 [sflag:s8], $0x0  }
0x24: {  	s3 =	sadd.s32 $0x88, s3;
	s6 =	simm.s32 @!p1 $0x1082;
	[sflag:s4] =	ssyncset.s32 $0xFFFFF086  }
0x25: {  	[simem:s6], [sflag:s4] =	dma.local [hbm:s3], $0xF7A  }
0x26: {  	[smem:$0x3F9F] =	sst s1;
	(tag) =	ssettag s2;
	_ =	strace s9  }
0x27: {  	s1 =	sld [smem:$0x3FAF]  }
0x28: {  	s2 =	sld [smem:$0x3FB0]  }
0x29: {  	s4 =	sld [smem:$0x3FB2]  }
0x2a: {  	p0 =	seq.s32 s5, $0x0;
	s5 =	sld [smem:$0x3FB3]  }
0x2b: {  	s6 =	sld [smem:$0x3FB4]  }
0x2c: {  	s7 =	sld [smem:$0x3FB5]  }
0x2d: {  	s3 =	simm.s32 $0x108;
	s8 =	sld [smem:$0x3FB6]  }
0x2e: {  	s3 =	simm.s32 @!p0 $0x1082;
	s9 =	sld [smem:$0x3FB7]  }
0x2f: {  	lr =	sadd.s32 s0, s3;
	s0 =	sld [smem:$0x3FAE]  }
0x30: {  	s3 =	sld [smem:$0x3FB1]  }
0x31: {  	[smem:$0x3FBA] =	sst s10  }
0x32: {  	s10 =	sld [smem:$0x3FB8];
	_ =	sdelay $0x3  }
0x33: {  	p0 =	seq.s32 s10, $0x1;
	s10 =	sld [smem:$0x3FBA];
	_ =	sdelay $0x3  }
0x34: {  	[smem:$0x3FBA] =	sst s10  }
0x35: {  	s10 =	sld [smem:$0x3FB9];
	_ =	sdelay $0x3  }
0x36: {  	p1 =	seq.s32 s10, $0x1;
	s10 =	sld [smem:$0x3FBA];
	_ =	sdelay $0x3  }
0x37: {  	[smem:$0x3FBA] =	sst s10  }
0x38: {  	s10 =	sld [smem:$0x3FBB]  }
0x39: {  	_ = 	snop;
	(pc) =	sbr.ind lr, $3  }
0x3a: {  	_ = 	snop  }
0x3b: {  	_ = 	snop  }
0x3c: {  	p2 =	seq.s32 s10, $0x1;
	s10 =	sld [smem:$0x3FBA]  }
0x3d: {  	_ =	shalt  }
0x3e: {  	_ =	shalt  }
0x3f: {  	_ =	shalt  }
0x40: {  	_ =	shalt  }
0x41: {  	_ =	shalt  }
0x42: {  	_ =	shalt  }
0x43: {  	_ =	shalt  }
0x44: {  	_ =	shalt  }
0x45: {  	_ =	shalt  }
0x46: {  	_ =	shalt  }
0x47: {  	_ =	shalt  }
0x48: {  	_ =	shalt  }
0x49: {  	_ =	shalt  }
0x4a: {  	_ =	shalt  }
0x4b: {  	_ =	shalt  }
0x4c: {  	_ =	shalt  }
0x4d: {  	_ =	shalt  }
0x4e: {  	_ =	shalt  }
0x4f: {  	_ =	shalt  }
0x50: {  	_ =	shalt  }
0x51: {  	_ =	shalt  }
0x52: {  	_ =	shalt  }
0x53: {  	_ =	shalt  }
0x54: {  	_ =	shalt  }
0x55: {  	_ =	shalt  }
0x56: {  	_ =	shalt  }
0x57: {  	_ =	shalt  }
0x58: {  	_ =	shalt  }
0x59: {  	_ =	shalt  }
0x5a: {  	_ =	shalt  }
0x5b: {  	_ =	shalt  }
0x5c: {  	_ =	shalt  }
0x5d: {  	_ =	shalt  }
0x5e: {  	_ =	shalt  }
0x5f: {  	_ =	shalt  }
0x60: {  	_ =	shalt  }
0x61: {  	_ =	shalt  }
0x62: {  	_ =	shalt  }
0x63: {  	_ =	shalt  }
0x64: {  	_ =	shalt  }
0x65: {  	_ =	shalt  }
0x66: {  	_ =	shalt  }
0x67: {  	_ =	shalt  }
0x68: {  	_ =	shalt  }
0x69: {  	_ =	shalt  }
0x6a: {  	_ =	shalt  }
0x6b: {  	_ =	shalt  }
0x6c: {  	_ =	shalt  }
0x6d: {  	_ =	shalt  }
0x6e: {  	_ =	shalt  }
0x6f: {  	_ =	shalt  }
0x70: {  	_ =	shalt  }
0x71: {  	_ =	shalt  }
0x72: {  	_ =	shalt  }
0x73: {  	_ =	shalt  }
0x74: {  	_ =	shalt  }
0x75: {  	_ =	shalt  }
0x76: {  	_ =	shalt  }
0x77: {  	_ =	shalt  }
0x78: {  	_ =	shalt  }
0x79: {  	_ =	shalt  }
0x7a: {  	_ =	shalt  }
0x7b: {  	_ =	shalt  }
0x7c: {  	_ =	shalt  }
0x7d: {  	_ =	shalt  }
0x7e: {  	_ =	shalt  }
0x7f: {  	_ =	shalt  }
0x80: {  	_ =	shalt  }
0x81: {  	_ =	shalt  }
0x82: {  	_ =	shalt  }
0x83: {  	_ =	shalt  }
0x84: {  	_ =	shalt  }
0x85: {  	_ =	shalt  }
0x86: {  	_ =	shalt  }
0x87: {  	_ =	shalt  }
.Lfunc_end0:
.L_simem_size_0:
called_computation_lowered:
.L_overlay_start_0:
0x88: {  	s2 =	sld [smem:$0x3FD9]  }
0x89: {  	s3 =	sld [smem:$0x3FFE];
	_ =	sdelay $0x1  }
0x8a: {  	s1 =	srdreg.scid  }
0x8b: {  	s0 =	sand.u32 $0x1, s1  }
0x8c: {  	s16 =	sshll.u32 s0, $0xA;
	s2 =	sadd.s32 s3, s2  }
0x8d: {  	s2 =	sadd.s32 s2, s16  }
0x8e: {  	[smem:$0x3FC6] =	sst s2  }
0x8f: {  	_ = 	snop  }
0x90: {  	(tm) =	ssettm $0x1  }
0x91: {  	s17 =	sld [smem:$0x3FFB];
	_ =	sdelay $0x3  }
0x92: {  	_ =	strace s17  }
0x93: {  	s2 =	sld [smem:$0x3FFC];
	_ =	sdelay $0x3  }
0x94: {  	_ =	strace s2  }
0x95: {  	s2 =	sld [smem:$0x3FFD];
	_ =	sdelay $0x3  }
0x96: {  	_ =	strace s2  }
0x97: {  	_ =	strace $0x8FFFFFFF  }
0x98: {  	s18 =	sld [smem:$0x3FDB];
	_ =	sdelay $0x1  }
0x99: {  	s19 =	simm.s32 $_scs_section_size  }
0x9a: {  	s4 =	simm.s32 $_size__tile_overlayer_lowered;
	s5 =	simm.s32 $_tile_overlayer_lowered  }
0x9b: {  	s22 =	simm.s32 $0x1BFF;
	s21 =	sshll.u32 s5, $0x1;
	s2 =	sadd.s32 s19, s18  }
0x9c: {  	s6 =	simm.s32 $0x0;
	s20 =	sshll.u32 s4, $0x1;
	s4 =	sadd.s32 s21, s2  }
0x9d: {  	[timem:s6], [sflag:s22] =	dma.local [hbm:s4], s20  }
0x9e: {  	_ =	swait.ge [sflag:s22], s20  }
0x9f: {  	s3 =	ssub.s32 $0x0, s20;
	[sflag:s22] =	ssyncset.done $0x0  }
0xa0: {  	[sflag:s22] =	ssyncadd.s32 s3;
	_ =	sdelay $0x1  }
0xa1: {  	s23 =	simm.s32 $0x1B8B  }
0xa2: {  	_ =	swait.ge [sflag:s23], $0x1  }
0xa3: {  	[sflag:s23] =	ssyncset.done $0x0  }
0xa4: {  	s25 =	simm.s32 $0x1B8E;
	s24 =	sld [smem:$0x3FFE];
	[sflag:s23] =	ssyncadd.s32 $0xFFFFFFFF  }
0xa5: {  	s26 =	simm.s32 $execute0_lowered;
	[smem:$0x3FD2] =	sst s25  }
0xa6: {  	s4 =	sshll.u32 s26, $0x1;
	_ =	strace $0x80000046;
	[dreg:$0x1] =	wrdreg $0xFFFFFFFF  }
0xa7: {  	s28 =	simm.s32 $_size_execute0_lowered;
	s2 =	sadd.s32 s2, s4;
	[dreg:$0x0] =	wrdreg $0x0  }
0xa8: {  	s4 =	sshll.u32 s28, $0x1;
	[dreg:$0x2] =	wrdreg s2  }
0xa9: {  	[dreg:$0x3] =	wrdreg s4  }
0xaa: {  	[dreg:$0x4] =	wrdreg $0xC0  }
0xab: {  	_ =	task [dreg:s6], $0x5FFFF  }
0xac: {  	[dreg:$0x1] =	wrdreg $0xFFFFFFFF  }
0xad: {  	[dreg:$0x0] =	wrdreg $0x60  }
0xae: {  	[dreg:$0x2] =	wrdreg s24  }
0xaf: {  	[dreg:$0x3] =	wrdreg $0x9  }
0xb0: {  	_ =	task.clear_ibuf [dreg:s6], $0x4FFFF;
	_ =	strace $0x90000046  }
0xb1: {  	s29 =	simm.s32 $0x9;
	_ =	strace $0x80000048  }
0xb2: {  	_ =	swait.ge [sflag:s29], $0x1  }
0xb3: {  	[sflag:s29] =	ssyncadd.s32 $0xFFFFFFFF  }
0xb4: {  	_ =	strace $0x90000048  }
0xb5: {  	_ =	sfence  }
0xb6: {  	s30 =	sld [smem:$0x0];
	_ =	sdelay $0x2  }
0xb7: {  	s31 =	sshll.u32 s1, $0xD;
	s1 =	sshrl.u32 s1, $0x2  }
0xb8: {  	s3 =	sand.u32 $0x4000, s31;
	s1 =	sadd.s32 s1, s30  }
0xb9: {  	s0 =	sor.u32 s3, s0;
	s1 =	sshll.u32 s1, $0x11  }
0xba: {  	s0 =	sor.u32 s1, s0  }
0xbb: {  	s0 =	sadd.s32 $0x8F2B, s0  }
0xbc: {  	[sflag:s0] =	ssyncadd.remote.s32 $0x1  }
0xbd: {  	_ =	sfence.sel $0xFFFF  }
0xbe: {  	[dreg:$0x0] =	wrdreg $0xFFFFFFFF;
	(pc) =	sbr.abs _section_cstart, $3  }
0xbf: {  	[dreg:$0x1] =	wrdreg $0xFFFFFFFF  }
0xc0: {  	_ =	task.clear_ibuf [dreg:s6], $0x2FFFF;
	_ =	strace $0x9FFFFFFF  }
0xc1: {  	(tm) =	ssettm $0x7FFFFFFF  }
tec
execute0_lowered:
.L_overlay_start_1:
0x0: {  	(tag) =	ssettag $0x1  }
0x1: {  	v0 =	vimm.s32 $0xFEDCBA98;
	v1 =	vimm.s32 $0x76543210  }
0x2: {  	v2 =	vimm.s32 $0xBA98FEDC;
	v3 =	vimm.s32 $0x32107654;
	v4 =	vimm.s32 $0xDCFE98BA  }
0x3: {  	v5 =	vimm.s32 $0x54761032;
	v6 =	vimm.s32 $0xEFCDAB89;
	v7 =	vimm.s32 $0x67452301  }
0x4: {  	v0 =	vunpack.c.l.s4.s8 v0;
	v1 =	vunpack.c.l.s4.s8 v1;
	v2 =	vunpack.c.l.s4.s8 v2  }
0x5: {  	s3 =	rddreg [dreg:$0x0];
	s2 =	srdreg.scid;
	v3 =	vunpack.c.l.s4.s8 v3;
	v4 =	vunpack.c.l.s4.s8 v4;
	v5 =	vunpack.c.l.s4.s8 v5  }
0x6: {  	s0 =	rddreg [dreg:$0x1];
	s1 =	stileid.u32;
	s7 =	simm.s32 $0x400;
	v6 =	vunpack.c.l.s4.s8 v6;
	v7 =	vunpack.c.l.s4.s8 v7;
	v0 =	vunpack.c.0.s8.s32 v0  }
0x7: {  	s8 =	simm.s32 $0x1;
	s9 =	simm.s32 $0x200;
	s10 =	simm.s32 $0x0;
	v2 =	vunpack.c.0.s8.s32 v2;
	v3 =	vunpack.c.0.s8.s32 v3;
	v4 =	vunpack.c.0.s8.s32 v4  }
0x8: {  	s4 =	sand.u32 $0x1, s2;
	s2 =	simm.s32 $0x0;
	s5 =	sshll.u32 s1, $0x7;
	v5 =	vunpack.c.0.s8.s32 v5;
	v6 =	vunpack.c.0.s8.s32 v6;
	v7 =	vunpack.c.0.s8.s32 v7  }
0x9: {  	s6 =	sshll.u32 s4, $0x6;
	[smem:$0x7FF] =	sst s2;
	s4 =	ssub.s32 $0x2, s4;
	v1 =	vunpack.c.0.s8.s32 v1;
	v2 =	vcombine.low v3, v2  }
0xa: {  	s5 =	sor.u32 s6, s5;
	_ =	strace $0x80000047;
	s31 =	sshrl.u32 s4, $0x1;
	v3 =	vcombine.low v5, v4;
	v4 =	vcombine.low v7, v6;
	v0 =	vand.u32 $0xF, v0  }
0xb: {  	vm0 =	vmmov $0x1;
	vm1 =	vcmask $0x308;
	s5 =	sadd.s32 s5, s3;
	s3 =	sadd.s32 $0x1200, s3;
	s6 =	ssub.s32 s4, s31;
	v0 =	vcombine.low v0, v1  }
0xc: {  	s4 =	sadd.s32 $0xA00, s5;
	s5 =	sadd.s32 $0x1400, s5;
	s6 =	smax.u32 s6, $0x1;
	v1 =	vand.u32 $0xF, v2;
	v2 =	vand.u32 $0xF, v3;
	v3 =	vand.u32 $0xF, v4  }
.LBB2_1:
0xd: {  	[tilespmem:s7], [sflag:$0x1] =	stream.linear.gather [hbm4b:s3+s2], $0x800, $0x38;
	[tilespmem:$0xC00] =	vst v63  }
0xe: {  	_ =	swait.ge [sflag:s8], $0x800  }
0xf: {  	[sflag:s8] =	ssyncset.done $0x0  }
0x10: {  	[sflag:s8] =	ssyncadd.s32 $0xFFFFF800  }
0x11: {  	[tilespmem:s2], [sflag:$0x1] =	stream.linear.gather [hbm4b:s4+s2], $0x200, $0x38;
	[tilespmem:$0xC00] =	vst v63  }
0x12: {  	_ =	swait.ge [sflag:s8], $0x200  }
0x13: {  	[sflag:s8] =	ssyncset.done $0x0  }
0x14: {  	[sflag:s8] =	ssyncadd.s32 $0xFFFFFE00  }
0x15: {  	v4 =	vld [tilespmem:$0x400];
	_ =	sdelay $0x1  }
0x16: {  	v5 =	vld [tilespmem:$0x480];
	_ =	sdelay $0x1  }
0x17: {  	v6 =	vld [tilespmem:$0x500]  }
0x18: {  	v4 =	vadd.f32 $0.0e+00, v4  }
0x19: {  	v7 =	vld [tilespmem:$0x580]  }
0x1a: {  	v4 =	vadd.f32 v5, v4  }
0x1b: {  	v5 =	vld [tilespmem:$0x600]  }
0x1c: {  	v4 =	vadd.f32 v6, v4  }
0x1d: {  	v6 =	vld [tilespmem:$0x680]  }
0x1e: {  	v4 =	vadd.f32 v7, v4  }
0x1f: {  	v7 =	vld [tilespmem:$0x700]  }
0x20: {  	v4 =	vadd.f32 v5, v4  }
0x21: {  	v5 =	vld [tilespmem:$0x780]  }
0x22: {  	v4 =	vadd.f32 v6, v4  }
0x23: {  	v6 =	vld [tilespmem:$0x800]  }
0x24: {  	v4 =	vadd.f32 v7, v4  }
0x25: {  	v7 =	vld [tilespmem:$0x880]  }
0x26: {  	v4 =	vadd.f32 v5, v4  }
0x27: {  	v5 =	vld [tilespmem:$0x900]  }
0x28: {  	v4 =	vadd.f32 v6, v4  }
0x29: {  	v6 =	vld [tilespmem:$0x980]  }
0x2a: {  	v4 =	vadd.f32 v7, v4  }
0x2b: {  	v7 =	vld [tilespmem:$0xA00]  }
0x2c: {  	v4 =	vadd.f32 v5, v4  }
0x2d: {  	v5 =	vld [tilespmem:$0xA80]  }
0x2e: {  	v4 =	vadd.f32 v6, v4  }
0x2f: {  	v6 =	vld [tilespmem:$0xB00]  }
0x30: {  	v4 =	vadd.f32 v7, v4  }
0x31: {  	v7 =	vld [tilespmem:$0xB80]  }
0x32: {  	v4 =	vadd.f32 v5, v4;
	_ =	sdelay $0x1  }
0x33: {  	v4 =	vadd.f32 v6, v4;
	_ =	sdelay $0x1  }
0x34: {  	v4 =	vadd.f32 v7, v4;
	_ =	sdelay $0x1  }
0x35: {  	v5 =	vnsel vm0, $0x0, v4  }
0x36: {  	v4 =	vsel vm1, $0x0, v4;
	v6 =	vperm.xlane v5, v0  }
0x37: {  	v7 =	vperm.xlane v4, v0  }
0x38: {  	v5 =	vadd.f32 v5, v6  }
0x39: {  	v4 =	vadd.f32 v7, v4  }
0x3a: {  	v6 =	vperm.xlane v5, v1  }
0x3b: {  	v7 =	vperm.xlane v4, v1  }
0x3c: {  	v5 =	vadd.f32 v5, v6  }
0x3d: {  	v4 =	vadd.f32 v7, v4  }
0x3e: {  	v6 =	vperm.xlane v5, v2  }
0x3f: {  	v7 =	vperm.xlane v4, v2  }
0x40: {  	v5 =	vadd.f32 v5, v6  }
0x41: {  	v4 =	vadd.f32 v7, v4  }
0x42: {  	v6 =	vperm.xlane v5, v3  }
0x43: {  	v7 =	vperm.xlane v4, v3  }
0x44: {  	v6 =	vadd.f32 v5, v6  }
0x45: {  	v7 =	vadd.f32 v7, v4  }
0x46: {  	v4 =	vmul.f32 $2.500000000e-01, v6  }
0x47: {  	v5 =	vmul.f32 $2.500000000e-01, v7  }
0x48: {  	v4 =	vmax.f32 v4, $9.999999960e-13  }
0x49: {  	(erf) = vrcp.f32 v4;
	v4 =	vmax.f32 v5, $9.999999960e-13  }
0x4a: {  	(erf) = vrcp.f32 v4;
	_ =	sdelay $0x7  }
0x4b: {  	v4 =	vpop (erf)  }
0x4c: {  	v5 =	vpop (erf)  }
0x4d: {  	v4 =	vmul.f32 $1.638400000e+07, v4;
	v5 =	vmul.f32 $1.228800000e+07, v5;
	_ =	sdelay $0x1  }
0x4e: {  	v6 =	vmul.f32 v4, v6;
	v7 =	vmul.f32 v5, v7;
	_ =	sdelay $0x1  }
0x4f: {  	v6 =	vmul.f32 v6, v4;
	v7 =	vmul.f32 v7, v5;
	_ =	sdelay $0x1  }
0x50: {  	v6 =	vadd.f32 v7, v6  }
0x51: {  	s11 =	simm.s32 $0x0  }
0x52: {  	(erf) = vrcp.f32 v6;
	v6 =	vld [tilespmem:s11+$0x0];
	_ =	sdelay $0x4  }
0x53: {  	vm2 =	vlt.f32 v6, $2.000000030e-01  }
0x54: {  	s12 =	simm.s32 $0x10;
	vm3 =	vlt.f32 v6, $1.000000010e-01;
	v6 =	vnsel vm2, $0x0, v5  }
0x55: {  	v7 =	vld [tilespmem:s12+$0x0];
	v6 =	vsel vm3, v4, v6;
	_ =	sdelay $0x1  }
0x56: {  	v8 =	vmul.f32 v6, v6  }
0x57: {  	v6 =	vpop (erf)  }
0x58: {  	s13 =	simm.s32 $0x80;
	v8 =	vmul.f32 v8, v6  }
.LBB2_2:
0x59: {  	s14 =	sshra.s32 s13, $0x2;
	p0 =	sne.s32 s13, $0x7C0;
	s13 =	sadd.s32 $0x40, s13;
	vm2 =	vlt.f32 v7, $2.000000030e-01  }
.Ltmp0:
0x5a: {  	vm3 =	vlt.f32 v7, $1.000000010e-01;
	v7 =	vld [tilespmem:s14+$0x0];
	v9 =	vnsel vm2, $0x0, v5;
	vm2 =	vlt.f32 v8, $9.999999970e-07;
	(pc) =	sbr.rel @p0 .LBB2_2-.Ltmp0, $3  }
0x5b: {  	v9 =	vsel vm3, v4, v9;
	v8 =	vsel vm2, $0x0, v8  }
0x5c: {  	v9 =	vmul.f32 v9, v9;
	[tilespmem:s11+$0x200] =	vst v8;
	s11 =	smov.u32 s12;
	s12 =	smov.u32 s14;
	_ =	sdelay $0x1  }
0x5d: {  	v8 =	vmul.f32 v9, v6  }
0x5e: {  	vm2 =	vlt.f32 v7, $2.000000030e-01  }
0x5f: {  	vm3 =	vlt.f32 v7, $1.000000010e-01;
	v5 =	vnsel vm2, $0x0, v5  }
0x60: {  	v4 =	vsel vm3, v4, v5  }
0x61: {  	v4 =	vmul.f32 v4, v4;
	_ =	sdelay $0x1  }
0x62: {  	v4 =	vmul.f32 v4, v6  }
0x63: {  	vm2 =	vlt.f32 v8, $9.999999970e-07  }
0x64: {  	s10 =	sadd.s32 $0x1, s10;
	v5 =	vsel vm2, $0x0, v8;
	vm2 =	vlt.f32 v4, $9.999999970e-07  }
0x65: {  	p0 =	sne.s32 s10, s6;
	[tilespmem:s11+$0x200] =	vst v5;
	v4 =	vsel vm2, $0x0, v4  }
.Ltmp1:
0x66: {  	[tilespmem:s12+$0x200] =	vst v4;
	(pc) =	sbr.rel @p0 .LBB2_1-.Ltmp1, $4  }
0x67: {  	[hbm4b:s5+s2] =	stream.linear.scatter [tilespmem:s9], [sflag:$0x1], $0x200, $0x38;
	[tilespmem:$0xC00] =	vst v63  }
0x68: {  	_ =	swait.ge [sflag:s8], $0x200  }
0x69: {  	[sflag:s8] =	ssyncset.done $0x0  }
0x6a: {  	[sflag:s8] =	ssyncadd.s32 $0xFFFFFE00  }
0x6b: {  	_ =	sfence.sel $0x180000  }
0x6c: {  	[bflag:$0x0] =	sbarrier.arrive $0xFFFF  }
0x6d: {  	p0 =	sne.s32 s1, $0x0;
	_ =	strace $0x90000047  }
0x6e: {  	s0 =	sadd.s32 @!p0 $0x100000, s0;
	[bflag:$0x2] =	sbarrier.arrive $0xFFFF  }
0x6f: {  	[sflag:s0] =	ssyncadd.tile.s32 @!p0 $0x1;
	_ =	shalt  }
.Lfunc_end2:
_tile_overlayer_lowered:
.L_overlay_start_2:
0x70: {  	(tag) =	ssettag $0x2  }
0x71: {  	s0 =	rddreg [dreg:$0x0];
	s2 =	stileid.u32  }
0x72: {  	s1 =	rddreg [dreg:$0x1];
	p0 =	sne.s32 s2, $0x0  }
0x73: {  	s3 =	rddreg [dreg:$0x2];
	[bflag:$0x3] =	sbarrier.arrive $0xFFFF;
	s2 =	simm.s32 @!p0 $0x1C01  }
0x74: {  	[timem:s3], [sflag:s2] =	dma.local @!p0 [hbm:s0], s1  }
0x75: {  	s0 =	simm.s32 @!p0 $0x1  }
0x76: {  	_ =	swait.ge @!p0 [sflag:s0], s1  }
0x77: {  	s1 =	ssub.s32 @!p0 $0x0, s1;
	[sflag:s0] =	ssyncset.done @!p0 $0x0  }
0x78: {  	[sflag:s0] =	ssyncadd.s32 @!p0 s1  }
0x79: {  	[bflag:$0x3] =	sbarrier.arrive $0xFFFF  }
0x7a: {  	_ =	shalt  }

</sc_bundles>
